<compile_context>
chip_gen: v7x
topology: tpu7x:2x2x1
jax: 0.10.2.dev20260603
libtpu: 0.0.44.dev20260713+nightly
codegen_flags: <defaults>
</compile_context>

<pallas_src>
import jax
import jax.numpy as jnp
from jax import lax
from jax.experimental import pallas as pl
from jax.experimental.pallas import tpu as pltpu
from jax.experimental.pallas import tpu_sc as plsc

R = 500_000
D = 128
N = 16_384
NC = 2
NS = 16
LANES = 16

T = 984
S = T * NS
R2 = R // NC
P = -(-R2 // S)
NI = N // NS
NB = NI // LANES
PAD = NS * 8


def _body(idx_hbm, a_hbm, b_hbm, out_hbm, idx_v, bsrc_v, cnt16_v, spmem):
    c = lax.axis_index("c")
    s = lax.axis_index("s")
    islice = s * NI

    pltpu.sync_copy(idx_hbm.at[pl.ds(islice, NI)], idx_v)

    lane = lax.iota(jnp.int32, LANES)
    dummy = S + s * 8 + (lane & 7)

    def one_pass(p, carry):
        sc_base = c * R2 + jnp.minimum(p * S, R2 - S)
        row0 = s * T
        pltpu.sync_copy(a_hbm.at[pl.ds(sc_base + row0, T)],
                        spmem.at[pl.ds(row0, T)])
        plsc.subcore_barrier()

        def one_batch(j, carry2):
            vec = idx_v[pl.ds(j * LANES, LANES)]
            rel = vec - sc_base
            mask = (rel >= 0) & (rel < S)
            cnt16_v[...] = jnp.where(mask, 1, 0)
            v = cnt16_v[...]
            cnt = (((v[0] + v[1]) + (v[2] + v[3]))
                   + ((v[4] + v[5]) + (v[6] + v[7]))
                   + ((v[8] + v[9]) + (v[10] + v[11]))
                   + ((v[12] + v[13]) + (v[14] + v[15])))

            @pl.when(cnt > 0)
            def _():
                target = jnp.where(mask, rel, dummy)
                pltpu.sync_copy(b_hbm.at[pl.ds(islice + j * LANES, LANES)],
                                bsrc_v)
                pltpu.sync_copy(bsrc_v, spmem.at[target], add=True)

            return carry2

        lax.fori_loop(0, NB, one_batch, 0)
        plsc.subcore_barrier()
        pltpu.sync_copy(spmem.at[pl.ds(row0, T)],
                        out_hbm.at[pl.ds(sc_base + row0, T)])
        return carry

    lax.fori_loop(0, P, one_pass, 0)


_scatter_add = pl.kernel(
    _body,
    out_type=jax.ShapeDtypeStruct((R, D), jnp.float32),
    mesh=plsc.VectorSubcoreMesh(core_axis_name="c", subcore_axis_name="s"),
    scratch_types=[
        pltpu.VMEM((NI,), jnp.int32),
        pltpu.VMEM((LANES, D), jnp.float32),
        pltpu.VMEM((LANES,), jnp.int32),
        pltpu.VMEM_SHARED((S + PAD, D), jnp.float32),
    ],
    compiler_params=pltpu.CompilerParams(use_tc_tiling_on_sc=True),
)


@jax.jit
def kernel(index, A, B):
    idx = index.astype(jnp.int32)
    zero = jnp.zeros_like(B)
    b128 = jnp.where((idx % 2 == 0)[:, None],
                     jnp.concatenate([B, zero], axis=1),
                     jnp.concatenate([zero, B], axis=1))
    a128 = A.reshape(R, D)
    out = _scatter_add(idx // 2, a128, b128)
    return out.reshape(1_000_000, 64)

# --- scband reference (transcript-rebuilt; emitter-appended) ---
"""Pipeline reference for scband-net-15642270892741 (READ-ONLY COPY).

The authoritative reference and input builder live on the scoring server;
editing this copy changes nothing except your own understanding.
"""

import jax, jax.numpy as jnp
import numpy as np


def setup_inputs(seed: int = 0) -> dict:
    key = jax.random.key(seed)
    k1, k2, k3 = jax.random.split(key, 3)
    index = jax.random.randint(k1, (16384,), 0, 1000000)
    A = jax.random.normal(k2, (1000000, 64), dtype=jnp.float32)
    B = jax.random.normal(k3, (16384, 64), dtype=jnp.float32)
    return {"index": index, "A": A, "B": B}


def reference(index, A, B):
    # The torch module's slicetensoradd splits indices into unique-hit rows
    # (bulk index_put accumulate) and duplicate-hit rows (looped index_put
    # accumulate). Both paths together compute exactly a scatter-add of B's
    # rows into A at positions `index`, with duplicate indices accumulating.
    # jnp's .at[].add performs that same accumulating scatter-add.
    out = A.at[index].add(B)
    return out

if __name__ == "__main__":
    import jax
    _d = setup_inputs()
    print(jax.jit(kernel)(*tuple(_d.values())))

</pallas_src>

<mosaic_0001>
#map = affine_map<(d0, d1) -> (0)>
#map1 = affine_map<(d0, d1) -> (0, 0)>
module attributes {stable_mosaic.version = 14 : i64} {
  func.func @_body(%arg0: i32, %arg1: i32, %arg2: memref<16384xi32, #tpu.memory_space<hbm>>, %arg3: memref<500000x128xf32, #tpu.memory_space<hbm>>, %arg4: memref<16384x128xf32, #tpu.memory_space<hbm>>, %arg5: memref<500000x128xf32, #tpu.memory_space<hbm>>, %arg6: memref<1024xi32, #tpu.memory_space<vmem>>, %arg7: memref<16x128xf32, #tpu.memory_space<vmem>>, %arg8: memref<16xi32, #tpu.memory_space<vmem>>, %arg9: memref<15872x128xf32, #tpu.memory_space<vmem_shared>>) attributes {dimension_semantics = [#tpu.dimension_semantics<core_parallel>, #tpu.dimension_semantics<subcore_parallel>], iteration_bounds = array<i64: 2, 16>, scalar_prefetch = 0 : i64, scratch_operands = 4 : i64, tpu.core_type = #tpu.core_type<sc_vector_subcore>, window_params = [{transform_indices = #map}, {transform_indices = #map1}, {transform_indices = #map1}, {transform_indices = #map1}]} {
    %mul3A = arith.constant 1024 : i32
    %mul3A_0 = arith.muli %arg1, %mul3A : i32
    "tpu.region"() ({
      %run_scoped3A = tpu.sem_alloc : memref<!tpu.dma_semaphore, #tpu.memory_space<semaphore_mem>>
      %dma_start3A = tpu.memref_slice %arg2[%mul3A_0] : memref<16384xi32, #tpu.memory_space<hbm>> -> memref<1024xi32, #tpu.memory_space<hbm>>
      %dma_start3A_13 = tpu.memref_slice %arg2[%mul3A_0] : memref<16384xi32, #tpu.memory_space<hbm>> -> memref<1024xi32, #tpu.memory_space<hbm>>
      tpu.enqueue_dma source(%dma_start3A_13 : memref<1024xi32, #tpu.memory_space<hbm>>) target(%arg6 : memref<1024xi32, #tpu.memory_space<vmem>>) target_semaphore(%run_scoped3A : memref<!tpu.dma_semaphore, #tpu.memory_space<semaphore_mem>>)
      %dma_wait3A = tpu.memref_slice %arg2[%mul3A_0] : memref<16384xi32, #tpu.memory_space<hbm>> -> memref<1024xi32, #tpu.memory_space<hbm>>
      %dma_wait3A_14 = tpu.memref_slice %arg2[%mul3A_0] : memref<16384xi32, #tpu.memory_space<hbm>> -> memref<1024xi32, #tpu.memory_space<hbm>>
      tpu.wait_dma2 semaphore(%run_scoped3A : memref<!tpu.dma_semaphore, #tpu.memory_space<semaphore_mem>>) src(%dma_wait3A_14 : memref<1024xi32, #tpu.memory_space<hbm>>) dst(%arg6 : memref<1024xi32, #tpu.memory_space<vmem>>)
      tpu.yield
    }) : () -> ()
    %iota3A = tpu.iota {dimensions = array<i32: 0>} : vector<16xi32>
    %mul3A_1 = arith.constant 8 : i32
    %mul3A_2 = arith.muli %arg1, %mul3A_1 : i32
    %add3A = arith.constant 15744 : i32
    %add3A_3 = arith.addi %add3A, %mul3A_2 : i32
    %and3A = arith.constant 7 : i32
    %and3A_4 = vector.broadcast %and3A : i32 to vector<16xi32>
    %and3A_5 = arith.andi %iota3A, %and3A_4 : vector<16xi32>
    %add3A_6 = vector.broadcast %add3A_3 : i32 to vector<16xi32>
    %add3A_7 = arith.addi %add3A_6, %and3A_5 : vector<16xi32>
    %scan3A = arith.constant 0 : i32
    %scan3A_8 = arith.constant 0 : i32
    %scan3A_9 = arith.constant 16 : i32
    %scan3A_10 = arith.addi %scan3A_8, %scan3A_9 : i32
    %scan3A_11 = arith.constant 1 : i32
    scf.for %scan3A_13 = %scan3A_8 to %scan3A_10 step %scan3A_11  : i32 {
      %mul3A_14 = arith.constant 250000 : i32
      %mul3A_15 = arith.muli %arg0, %mul3A_14 : i32
      %mul3A_16 = arith.constant 15744 : i32
      %mul3A_17 = arith.muli %scan3A_13, %mul3A_16 : i32
      %min3A = arith.constant 234256 : i32
      %min3A_18 = arith.minsi %mul3A_17, %min3A : i32
      %add3A_19 = arith.addi %mul3A_15, %min3A_18 : i32
      %mul3A_20 = arith.constant 984 : i32
      %mul3A_21 = arith.muli %arg1, %mul3A_20 : i32
      %add3A_22 = arith.addi %add3A_19, %mul3A_21 : i32
      "tpu.region"() ({
        %run_scoped3A = tpu.sem_alloc : memref<!tpu.dma_semaphore, #tpu.memory_space<semaphore_mem>>
        %dma_start3A = arith.constant 0 : i32
        %dma_start3A_31 = tpu.memref_slice %arg9[%mul3A_21, %dma_start3A] : memref<15872x128xf32, #tpu.memory_space<vmem_shared>> -> memref<984x128xf32, #tpu.memory_space<vmem_shared>>
        %dma_start3A_32 = arith.constant 0 : i32
        %dma_start3A_33 = tpu.memref_slice %arg3[%add3A_22, %dma_start3A_32] : memref<500000x128xf32, #tpu.memory_space<hbm>> -> memref<984x128xf32, #tpu.memory_space<hbm>>
        tpu.enqueue_dma source(%dma_start3A_33 : memref<984x128xf32, #tpu.memory_space<hbm>>) target(%dma_start3A_31 : memref<984x128xf32, #tpu.memory_space<vmem_shared>>) target_semaphore(%run_scoped3A : memref<!tpu.dma_semaphore, #tpu.memory_space<semaphore_mem>>)
        %dma_wait3A = arith.constant 0 : i32
        %dma_wait3A_34 = tpu.memref_slice %arg9[%mul3A_21, %dma_wait3A] : memref<15872x128xf32, #tpu.memory_space<vmem_shared>> -> memref<984x128xf32, #tpu.memory_space<vmem_shared>>
        %dma_wait3A_35 = arith.constant 0 : i32
        %dma_wait3A_36 = tpu.memref_slice %arg3[%add3A_22, %dma_wait3A_35] : memref<500000x128xf32, #tpu.memory_space<hbm>> -> memref<984x128xf32, #tpu.memory_space<hbm>>
        tpu.wait_dma2 semaphore(%run_scoped3A : memref<!tpu.dma_semaphore, #tpu.memory_space<semaphore_mem>>) src(%dma_wait3A_36 : memref<984x128xf32, #tpu.memory_space<hbm>>) dst(%dma_wait3A_34 : memref<984x128xf32, #tpu.memory_space<vmem_shared>>)
        tpu.yield
      }) : () -> ()
      %barrier3A = arith.constant 0 : index
      tpu.barrier barrier_id(%barrier3A)
      %scan3A_23 = arith.constant 0 : i32
      %scan3A_24 = arith.constant 0 : i32
      %scan3A_25 = arith.constant 64 : i32
      %scan3A_26 = arith.addi %scan3A_24, %scan3A_25 : i32
      %scan3A_27 = arith.constant 1 : i32
      scf.for %scan3A_31 = %scan3A_24 to %scan3A_26 step %scan3A_27  : i32 {
        %mul3A_32 = arith.constant 16 : i32
        %mul3A_33 = arith.muli %scan3A_31, %mul3A_32 : i32
        %get3A = arith.index_cast %mul3A_33 : i32 to index
        %get3A_34 = tpu.vector_load %arg6[%get3A] {strides = array<i32>} : memref<1024xi32, #tpu.memory_space<vmem>>, vector<16xi32>,
        %get3A_35 = vector.shape_cast %get3A_34 : vector<16xi32> to vector<16xi32>
        %sub3A = vector.broadcast %add3A_19 : i32 to vector<16xi32>
        %sub3A_36 = arith.subi %get3A_35, %sub3A : vector<16xi32>
        %ge3A = arith.constant 0 : i32
        %ge3A_37 = vector.broadcast %ge3A : i32 to vector<16xi32>
        %ge3A_38 = arith.cmpi sge, %sub3A_36, %ge3A_37 : vector<16xi32>
        %lt3A = arith.constant 15744 : i32
        %lt3A_39 = vector.broadcast %lt3A : i32 to vector<16xi32>
        %lt3A_40 = arith.cmpi slt, %sub3A_36, %lt3A_39 : vector<16xi32>
        %and3A_41 = arith.andi %ge3A_38, %lt3A_40 : vector<16xi1>
        %jit3A = arith.constant 1 : i32
        %jit3A_42 = arith.constant 0 : i32
        %broadcast_in_dim3A = vector.broadcast %jit3A : i32 to vector<16xi32>
        %broadcast_in_dim3A_43 = vector.broadcast %jit3A_42 : i32 to vector<16xi32>
        %select_n3A = arith.select %and3A_41, %broadcast_in_dim3A, %broadcast_in_dim3A_43 : vector<16xi1>, vector<16xi32>
        %swap3A = arith.constant 0 : index
        %swap3A_44 = tpu.vector_load %arg8[%swap3A] {strides = array<i32>} : memref<16xi32, #tpu.memory_space<vmem>>, vector<16xi32>,
        %swap3A_45 = vector.shape_cast %swap3A_44 : vector<16xi32> to vector<16xi32>
        %swap3A_46 = vector.shape_cast %select_n3A : vector<16xi32> to vector<16xi32>
        tpu.vector_store %arg8[%swap3A], %swap3A_46 {strides = array<i32>} : memref<16xi32, #tpu.memory_space<vmem>>, vector<16xi32>,
        %get3A_47 = arith.constant 0 : index
        %get3A_48 = tpu.vector_load %arg8[%get3A_47] {strides = array<i32>} : memref<16xi32, #tpu.memory_space<vmem>>, vector<16xi32>,
        %get3A_49 = vector.shape_cast %get3A_48 : vector<16xi32> to vector<16xi32>
        %slice3A = vector.extract_strided_slice %get3A_49 {offsets = [0], sizes = [1], strides = [1]} : vector<16xi32> to vector<1xi32>
        %squeeze3A = vector.extract %slice3A[0] : i32 from vector<1xi32>
        %slice3A_50 = vector.extract_strided_slice %get3A_49 {offsets = [1], sizes = [1], strides = [1]} : vector<16xi32> to vector<1xi32>
        %squeeze3A_51 = vector.extract %slice3A_50[0] : i32 from vector<1xi32>
        %add3A_52 = arith.addi %squeeze3A, %squeeze3A_51 : i32
        %slice3A_53 = vector.extract_strided_slice %get3A_49 {offsets = [2], sizes = [1], strides = [1]} : vector<16xi32> to vector<1xi32>
        %squeeze3A_54 = vector.extract %slice3A_53[0] : i32 from vector<1xi32>
        %slice3A_55 = vector.extract_strided_slice %get3A_49 {offsets = [3], sizes = [1], strides = [1]} : vector<16xi32> to vector<1xi32>
        %squeeze3A_56 = vector.extract %slice3A_55[0] : i32 from vector<1xi32>
        %add3A_57 = arith.addi %squeeze3A_54, %squeeze3A_56 : i32
        %add3A_58 = arith.addi %add3A_52, %add3A_57 : i32
        %slice3A_59 = vector.extract_strided_slice %get3A_49 {offsets = [4], sizes = [1], strides = [1]} : vector<16xi32> to vector<1xi32>
        %squeeze3A_60 = vector.extract %slice3A_59[0] : i32 from vector<1xi32>
        %slice3A_61 = vector.extract_strided_slice %get3A_49 {offsets = [5], sizes = [1], strides = [1]} : vector<16xi32> to vector<1xi32>
        %squeeze3A_62 = vector.extract %slice3A_61[0] : i32 from vector<1xi32>
        %add3A_63 = arith.addi %squeeze3A_60, %squeeze3A_62 : i32
        %slice3A_64 = vector.extract_strided_slice %get3A_49 {offsets = [6], sizes = [1], strides = [1]} : vector<16xi32> to vector<1xi32>
        %squeeze3A_65 = vector.extract %slice3A_64[0] : i32 from vector<1xi32>
        %slice3A_66 = vector.extract_strided_slice %get3A_49 {offsets = [7], sizes = [1], strides = [1]} : vector<16xi32> to vector<1xi32>
        %squeeze3A_67 = vector.extract %slice3A_66[0] : i32 from vector<1xi32>
        %add3A_68 = arith.addi %squeeze3A_65, %squeeze3A_67 : i32
        %add3A_69 = arith.addi %add3A_63, %add3A_68 : i32
        %add3A_70 = arith.addi %add3A_58, %add3A_69 : i32
        %slice3A_71 = vector.extract_strided_slice %get3A_49 {offsets = [8], sizes = [1], strides = [1]} : vector<16xi32> to vector<1xi32>
        %squeeze3A_72 = vector.extract %slice3A_71[0] : i32 from vector<1xi32>
        %slice3A_73 = vector.extract_strided_slice %get3A_49 {offsets = [9], sizes = [1], strides = [1]} : vector<16xi32> to vector<1xi32>
        %squeeze3A_74 = vector.extract %slice3A_73[0] : i32 from vector<1xi32>
        %add3A_75 = arith.addi %squeeze3A_72, %squeeze3A_74 : i32
        %slice3A_76 = vector.extract_strided_slice %get3A_49 {offsets = [10], sizes = [1], strides = [1]} : vector<16xi32> to vector<1xi32>
        %squeeze3A_77 = vector.extract %slice3A_76[0] : i32 from vector<1xi32>
        %slice3A_78 = vector.extract_strided_slice %get3A_49 {offsets = [11], sizes = [1], strides = [1]} : vector<16xi32> to vector<1xi32>
        %squeeze3A_79 = vector.extract %slice3A_78[0] : i32 from vector<1xi32>
        %add3A_80 = arith.addi %squeeze3A_77, %squeeze3A_79 : i32
        %add3A_81 = arith.addi %add3A_75, %add3A_80 : i32
        %add3A_82 = arith.addi %add3A_70, %add3A_81 : i32
        %slice3A_83 = vector.extract_strided_slice %get3A_49 {offsets = [12], sizes = [1], strides = [1]} : vector<16xi32> to vector<1xi32>
        %squeeze3A_84 = vector.extract %slice3A_83[0] : i32 from vector<1xi32>
        %slice3A_85 = vector.extract_strided_slice %get3A_49 {offsets = [13], sizes = [1], strides = [1]} : vector<16xi32> to vector<1xi32>
        %squeeze3A_86 = vector.extract %slice3A_85[0] : i32 from vector<1xi32>
        %add3A_87 = arith.addi %squeeze3A_84, %squeeze3A_86 : i32
        %slice3A_88 = vector.extract_strided_slice %get3A_49 {offsets = [14], sizes = [1], strides = [1]} : vector<16xi32> to vector<1xi32>
        %squeeze3A_89 = vector.extract %slice3A_88[0] : i32 from vector<1xi32>
        %slice3A_90 = vector.extract_strided_slice %get3A_49 {offsets = [15], sizes = [1], strides = [1]} : vector<16xi32> to vector<1xi32>
        %squeeze3A_91 = vector.extract %slice3A_90[0] : i32 from vector<1xi32>
        %add3A_92 = arith.addi %squeeze3A_89, %squeeze3A_91 : i32
        %add3A_93 = arith.addi %add3A_87, %add3A_92 : i32
        %add3A_94 = arith.addi %add3A_82, %add3A_93 : i32
        %gt3A = arith.constant 0 : i32
        %gt3A_95 = arith.cmpi sgt, %add3A_94, %gt3A : i32
        %convert_element_type3A = arith.extui %gt3A_95 : i1 to i32
        %cond3A = arith.constant 0 : i32
        %cond3A_96 = arith.cmpi ne, %convert_element_type3A, %cond3A : i32
        scf.if %cond3A_96 {
          %select_n3A_97 = arith.select %and3A_41, %sub3A_36, %add3A_7 : vector<16xi1>, vector<16xi32>
          %mul3A_98 = arith.constant 16 : i32
          %mul3A_99 = arith.muli %scan3A_31, %mul3A_98 : i32
          %add3A_100 = arith.addi %mul3A_0, %mul3A_99 : i32
          "tpu.region"() ({
            %run_scoped3A = tpu.sem_alloc : memref<!tpu.dma_semaphore, #tpu.memory_space<semaphore_mem>>
            %dma_start3A = arith.constant 0 : i32
            %dma_start3A_101 = tpu.memref_slice %arg4[%add3A_100, %dma_start3A] : memref<16384x128xf32, #tpu.memory_space<hbm>> -> memref<16x128xf32, #tpu.memory_space<hbm>>
            %dma_start3A_102 = arith.constant 0 : i32
            %dma_start3A_103 = tpu.memref_slice %arg4[%add3A_100, %dma_start3A_102] : memref<16384x128xf32, #tpu.memory_space<hbm>> -> memref<16x128xf32, #tpu.memory_space<hbm>>
            tpu.enqueue_dma source(%dma_start3A_103 : memref<16x128xf32, #tpu.memory_space<hbm>>) target(%arg7 : memref<16x128xf32, #tpu.memory_space<vmem>>) target_semaphore(%run_scoped3A : memref<!tpu.dma_semaphore, #tpu.memory_space<semaphore_mem>>)
            %dma_wait3A = arith.constant 0 : i32
            %dma_wait3A_104 = tpu.memref_slice %arg4[%add3A_100, %dma_wait3A] : memref<16384x128xf32, #tpu.memory_space<hbm>> -> memref<16x128xf32, #tpu.memory_space<hbm>>
            %dma_wait3A_105 = arith.constant 0 : i32
            %dma_wait3A_106 = tpu.memref_slice %arg4[%add3A_100, %dma_wait3A_105] : memref<16384x128xf32, #tpu.memory_space<hbm>> -> memref<16x128xf32, #tpu.memory_space<hbm>>
            tpu.wait_dma2 semaphore(%run_scoped3A : memref<!tpu.dma_semaphore, #tpu.memory_space<semaphore_mem>>) src(%dma_wait3A_106 : memref<16x128xf32, #tpu.memory_space<hbm>>) dst(%arg7 : memref<16x128xf32, #tpu.memory_space<vmem>>)
            tpu.yield
          }) : () -> ()
          "tpu.region"() ({
            %run_scoped3A = tpu.sem_alloc : memref<!tpu.dma_semaphore, #tpu.memory_space<semaphore_mem>>
            %dma_start3A = arith.constant 0 : i32
            %dma_start3A_101 = arith.constant 0 : i32
            %dma_start3A_102 = tpu.memref_slice %arg9[%dma_start3A, %dma_start3A_101] : memref<15872x128xf32, #tpu.memory_space<vmem_shared>> -> memref<15872x128xf32, #tpu.memory_space<vmem_shared>>
            tpu.enqueue_indirect_dma source(%arg7 : memref<16x128xf32, #tpu.memory_space<vmem>>) target(%dma_start3A_102 : memref<15872x128xf32, #tpu.memory_space<vmem_shared>>) offsets(%select_n3A_97 : vector<16xi32>) semaphore(%run_scoped3A : memref<!tpu.dma_semaphore, #tpu.memory_space<semaphore_mem>>) {add = true}
            %dma_wait3A = arith.constant 0 : i32
            %dma_wait3A_103 = arith.constant 0 : i32
            %dma_wait3A_104 = tpu.memref_slice %arg9[%dma_wait3A, %dma_wait3A_103] : memref<15872x128xf32, #tpu.memory_space<vmem_shared>> -> memref<15872x128xf32, #tpu.memory_space<vmem_shared>>
            tpu.wait_indirect_dma semaphore(%run_scoped3A : memref<!tpu.dma_semaphore, #tpu.memory_space<semaphore_mem>>) src(%arg7 : memref<16x128xf32, #tpu.memory_space<vmem>>) dst(%dma_wait3A_104 : memref<15872x128xf32, #tpu.memory_space<vmem_shared>>)
            tpu.yield
          }) : () -> ()
        } else {
        }
      }
      %scan3A_28 = arith.constant 64 : i32
      %barrier3A_29 = arith.constant 0 : index
      tpu.barrier barrier_id(%barrier3A_29)
      %add3A_30 = arith.addi %add3A_19, %mul3A_21 : i32
      "tpu.region"() ({
        %run_scoped3A = tpu.sem_alloc : memref<!tpu.dma_semaphore, #tpu.memory_space<semaphore_mem>>
        %dma_start3A = arith.constant 0 : i32
        %dma_start3A_31 = tpu.memref_slice %arg5[%add3A_30, %dma_start3A] : memref<500000x128xf32, #tpu.memory_space<hbm>> -> memref<984x128xf32, #tpu.memory_space<hbm>>
        %dma_start3A_32 = arith.constant 0 : i32
        %dma_start3A_33 = tpu.memref_slice %arg9[%mul3A_21, %dma_start3A_32] : memref<15872x128xf32, #tpu.memory_space<vmem_shared>> -> memref<984x128xf32, #tpu.memory_space<vmem_shared>>
        tpu.enqueue_dma source(%dma_start3A_33 : memref<984x128xf32, #tpu.memory_space<vmem_shared>>) target(%dma_start3A_31 : memref<984x128xf32, #tpu.memory_space<hbm>>) target_semaphore(%run_scoped3A : memref<!tpu.dma_semaphore, #tpu.memory_space<semaphore_mem>>)
        %dma_wait3A = arith.constant 0 : i32
        %dma_wait3A_34 = tpu.memref_slice %arg5[%add3A_30, %dma_wait3A] : memref<500000x128xf32, #tpu.memory_space<hbm>> -> memref<984x128xf32, #tpu.memory_space<hbm>>
        %dma_wait3A_35 = arith.constant 0 : i32
        %dma_wait3A_36 = tpu.memref_slice %arg9[%mul3A_21, %dma_wait3A_35] : memref<15872x128xf32, #tpu.memory_space<vmem_shared>> -> memref<984x128xf32, #tpu.memory_space<vmem_shared>>
        tpu.wait_dma2 semaphore(%run_scoped3A : memref<!tpu.dma_semaphore, #tpu.memory_space<semaphore_mem>>) src(%dma_wait3A_36 : memref<984x128xf32, #tpu.memory_space<vmem_shared>>) dst(%dma_wait3A_34 : memref<984x128xf32, #tpu.memory_space<hbm>>)
        tpu.yield
      }) : () -> ()
    }
    %scan3A_12 = arith.constant 16 : i32
    return
  }
}

</mosaic_0001>

<sc_bundles>
// kernel: kernel.3.cloned.1.call-start
scs
__scs_entry_jumppad:
0x0: {  	(pc) =	sbr.rel $0x88, $3  }
0x1: {  	(tag) =	ssettag $0x0;
	lr =	simm.s32 $0x1  }
0x2: {  	[smem:$0x3F9E] =	sst lr;
	_ =	strace $0xD0000000  }
0x3: {  	_ = 	snop  }
0x4: {  	_ = 	snop  }
0x5: {  	_ = 	snop  }
0x6: {  	_ = 	snop  }
0x7: {  	_ = 	snop  }
__scs_overlays_trampoline_lowered:
0x8: {  	[smem:$0x3FAD] =	sst s0  }
0x9: {  	[smem:$0x3FAE] =	sst s1  }
0xa: {  	[smem:$0x3FAF] =	sst s2  }
0xb: {  	[smem:$0x3FB0] =	sst s3  }
0xc: {  	[smem:$0x3FB1] =	sst s4  }
0xd: {  	[smem:$0x3FB2] =	sst s5  }
0xe: {  	[smem:$0x3FB3] =	sst s6  }
0xf: {  	[smem:$0x3FB4] =	sst s7  }
0x10: {  	[smem:$0x3FB5] =	sst s8  }
0x11: {  	[smem:$0x3FB6] =	sst s9;
	s0 =	simm.s32 @!p0 $0x0  }
0x12: {  	s1 =	sld [smem:$0x3F9C];
	s0 =	simm.s32 @p0 $0x1  }
0x13: {  	[smem:$0x3FB7] =	sst s0;
	s0 =	simm.s32 @!p1 $0x0  }
0x14: {  	s2 =	sld [smem:$0x3F9B];
	s0 =	simm.s32 @p1 $0x1  }
0x15: {  	[smem:$0x3FB8] =	sst s0;
	s0 =	simm.s32 @!p2 $0x0  }
0x16: {  	s3 =	sld [smem:$0x3FDB];
	s0 =	simm.s32 @p2 $0x1  }
0x17: {  	s4 =	simm.s32 $0x1BF5;
	[smem:$0x3FBA] =	sst s0  }
0x18: {  	s0 =	sld [smem:$0x3F9D];
	_ =	swait.ge [sflag:s4], $0x0  }
0x19: {  	s7 =	sld [smem:$0x3F9E]  }
0x1a: {  	s8 =	sadd.s32 $0xFFFFE003, lr  }
0x1b: {  	s9 =	sadd.s32 $0xFFFFFEF7, lr;
	s5 =	simm.s32 $0xFFFFFFFF;
	p2 =	slt.u32 s8, $0xFFFFF086  }
0x1c: {  	p1 =	slt.u32 s9, $0xF7A;
	s5 =	simm.s32 @!p2 $0x0  }
0x1d: {  	s5 =	simm.s32 @p1 $0x1;
	p0 =	seq.s32 s7, s2  }
0x1e: {  	s7 =	smul.u32 @!p0 $0xF7A, s2;
	p2 =	seq.s32 @!p0 s5, $0x0  }
0x1f: {  	s9 =	smul.u32 $0xF7A, s1;
	s8 =	simm.s32 @!p0 $0x1BF5;
	p2 =	por !p2, p0  }
0x20: {  	[sflag:s8] =	ssyncset.s32 @!p0 $0xFFFFF086;
	s6 =	sadd.s32 @!p0 s3, s7;
	s7 =	simm.s32 @!p0 $0x108  }
0x21: {  	s3 =	sadd.s32 s3, s9;
	s6 =	sadd.s32 @!p0 $0x88, s6;
	s7 =	simm.s32 @p2 $0x1082  }
0x22: {  	[simem:s7], [sflag:s8] =	dma.local @!p0 [hbm:s6], $0xF7A  }
0x23: {  	s9 =	sor.u32 $0xD0000000, s2;
	s6 =	simm.s32 $0x108;
	_ =	swait.ge @!p0 [sflag:s8], $0x0  }
0x24: {  	s3 =	sadd.s32 $0x88, s3;
	s6 =	simm.s32 @!p1 $0x1082;
	[sflag:s4] =	ssyncset.s32 $0xFFFFF086  }
0x25: {  	[simem:s6], [sflag:s4] =	dma.local [hbm:s3], $0xF7A  }
0x26: {  	[smem:$0x3F9E] =	sst s1;
	(tag) =	ssettag s2;
	_ =	strace s9  }
0x27: {  	s1 =	sld [smem:$0x3FAE]  }
0x28: {  	s2 =	sld [smem:$0x3FAF]  }
0x29: {  	s4 =	sld [smem:$0x3FB1]  }
0x2a: {  	p0 =	seq.s32 s5, $0x0;
	s5 =	sld [smem:$0x3FB2]  }
0x2b: {  	s6 =	sld [smem:$0x3FB3]  }
0x2c: {  	s7 =	sld [smem:$0x3FB4]  }
0x2d: {  	s3 =	simm.s32 $0x108;
	s8 =	sld [smem:$0x3FB5]  }
0x2e: {  	s3 =	simm.s32 @!p0 $0x1082;
	s9 =	sld [smem:$0x3FB6]  }
0x2f: {  	lr =	sadd.s32 s0, s3;
	s0 =	sld [smem:$0x3FAD]  }
0x30: {  	s3 =	sld [smem:$0x3FB0]  }
0x31: {  	[smem:$0x3FB9] =	sst s10  }
0x32: {  	s10 =	sld [smem:$0x3FB7];
	_ =	sdelay $0x3  }
0x33: {  	p0 =	seq.s32 s10, $0x1;
	s10 =	sld [smem:$0x3FB9];
	_ =	sdelay $0x3  }
0x34: {  	[smem:$0x3FB9] =	sst s10  }
0x35: {  	s10 =	sld [smem:$0x3FB8];
	_ =	sdelay $0x3  }
0x36: {  	p1 =	seq.s32 s10, $0x1;
	s10 =	sld [smem:$0x3FB9];
	_ =	sdelay $0x3  }
0x37: {  	[smem:$0x3FB9] =	sst s10  }
0x38: {  	s10 =	sld [smem:$0x3FBA]  }
0x39: {  	_ = 	snop;
	(pc) =	sbr.ind lr, $3  }
0x3a: {  	_ = 	snop  }
0x3b: {  	_ = 	snop  }
0x3c: {  	p2 =	seq.s32 s10, $0x1;
	s10 =	sld [smem:$0x3FB9]  }
0x3d: {  	_ =	shalt  }
0x3e: {  	_ =	shalt  }
0x3f: {  	_ =	shalt  }
0x40: {  	_ =	shalt  }
0x41: {  	_ =	shalt  }
0x42: {  	_ =	shalt  }
0x43: {  	_ =	shalt  }
0x44: {  	_ =	shalt  }
0x45: {  	_ =	shalt  }
0x46: {  	_ =	shalt  }
0x47: {  	_ =	shalt  }
0x48: {  	_ =	shalt  }
0x49: {  	_ =	shalt  }
0x4a: {  	_ =	shalt  }
0x4b: {  	_ =	shalt  }
0x4c: {  	_ =	shalt  }
0x4d: {  	_ =	shalt  }
0x4e: {  	_ =	shalt  }
0x4f: {  	_ =	shalt  }
0x50: {  	_ =	shalt  }
0x51: {  	_ =	shalt  }
0x52: {  	_ =	shalt  }
0x53: {  	_ =	shalt  }
0x54: {  	_ =	shalt  }
0x55: {  	_ =	shalt  }
0x56: {  	_ =	shalt  }
0x57: {  	_ =	shalt  }
0x58: {  	_ =	shalt  }
0x59: {  	_ =	shalt  }
0x5a: {  	_ =	shalt  }
0x5b: {  	_ =	shalt  }
0x5c: {  	_ =	shalt  }
0x5d: {  	_ =	shalt  }
0x5e: {  	_ =	shalt  }
0x5f: {  	_ =	shalt  }
0x60: {  	_ =	shalt  }
0x61: {  	_ =	shalt  }
0x62: {  	_ =	shalt  }
0x63: {  	_ =	shalt  }
0x64: {  	_ =	shalt  }
0x65: {  	_ =	shalt  }
0x66: {  	_ =	shalt  }
0x67: {  	_ =	shalt  }
0x68: {  	_ =	shalt  }
0x69: {  	_ =	shalt  }
0x6a: {  	_ =	shalt  }
0x6b: {  	_ =	shalt  }
0x6c: {  	_ =	shalt  }
0x6d: {  	_ =	shalt  }
0x6e: {  	_ =	shalt  }
0x6f: {  	_ =	shalt  }
0x70: {  	_ =	shalt  }
0x71: {  	_ =	shalt  }
0x72: {  	_ =	shalt  }
0x73: {  	_ =	shalt  }
0x74: {  	_ =	shalt  }
0x75: {  	_ =	shalt  }
0x76: {  	_ =	shalt  }
0x77: {  	_ =	shalt  }
0x78: {  	_ =	shalt  }
0x79: {  	_ =	shalt  }
0x7a: {  	_ =	shalt  }
0x7b: {  	_ =	shalt  }
0x7c: {  	_ =	shalt  }
0x7d: {  	_ =	shalt  }
0x7e: {  	_ =	shalt  }
0x7f: {  	_ =	shalt  }
0x80: {  	_ =	shalt  }
0x81: {  	_ =	shalt  }
0x82: {  	_ =	shalt  }
0x83: {  	_ =	shalt  }
0x84: {  	_ =	shalt  }
0x85: {  	_ =	shalt  }
0x86: {  	_ =	shalt  }
0x87: {  	_ =	shalt  }
.Lfunc_end0:
.L_simem_size_0:
called_computation.1_lowered:
.L_overlay_start_0:
0x88: {  	s2 =	sld [smem:$0x3FD9]  }
0x89: {  	s3 =	sld [smem:$0x3FFE];
	_ =	sdelay $0x1  }
0x8a: {  	s1 =	srdreg.scid  }
0x8b: {  	s0 =	sand.u32 $0x1, s1  }
0x8c: {  	s17 =	sshll.u32 s0, $0xA;
	s2 =	sadd.s32 s3, s2  }
0x8d: {  	s2 =	sadd.s32 s2, s17  }
0x8e: {  	[smem:$0x3FC5] =	sst s2  }
0x8f: {  	_ = 	snop  }
0x90: {  	s2 =	sld [smem:$0x3FD0];
	(tm) =	ssettm $0x1  }
0x91: {  	s18 =	sld [smem:$0x3FFB];
	_ =	sdelay $0x3  }
0x92: {  	_ =	strace s18  }
0x93: {  	s3 =	sld [smem:$0x3FFC];
	_ =	sdelay $0x3  }
0x94: {  	_ =	strace s3  }
0x95: {  	s3 =	sld [smem:$0x3FFD];
	_ =	sdelay $0x3  }
0x96: {  	_ =	strace s3  }
0x97: {  	_ =	strace $0x8FFFFFFF  }
0x98: {  	s19 =	sld [smem:$0x3FDB];
	_ =	sdelay $0x1  }
0x99: {  	s4 =	simm.s32 $_scs_section_size  }
0x9a: {  	s5 =	simm.s32 $_size__tile_overlayer_lowered;
	s6 =	simm.s32 $_tile_overlayer_lowered  }
0x9b: {  	s22 =	simm.s32 $0x1BFF;
	s21 =	sshll.u32 s6, $0x1;
	s3 =	sadd.s32 s4, s19  }
0x9c: {  	s7 =	simm.s32 $0x0;
	s20 =	sshll.u32 s5, $0x1;
	s5 =	sadd.s32 s21, s3  }
0x9d: {  	[timem:s7], [sflag:s22] =	dma.local [hbm:s5], s20  }
0x9e: {  	_ =	swait.ge [sflag:s22], s20  }
0x9f: {  	s4 =	ssub.s32 $0x0, s20;
	[sflag:s22] =	ssyncset.done $0x0  }
0xa0: {  	[sflag:s22] =	ssyncadd.s32 s4;
	_ =	sdelay $0x1  }
0xa1: {  	s23 =	simm.s32 $0x1B8B  }
0xa2: {  	_ =	swait.ge [sflag:s23], $0x1  }
0xa3: {  	[sflag:s23] =	ssyncset.done $0x0  }
0xa4: {  	s25 =	simm.s32 $0x1B8E;
	s24 =	sld [smem:$0x3FFE];
	[sflag:s23] =	ssyncadd.s32 $0xFFFFFFFF  }
0xa5: {  	s26 =	simm.s32 $execute0_lowered;
	[smem:$0x3FD2] =	sst s25  }
0xa6: {  	s5 =	sshll.u32 s26, $0x1;
	_ =	strace $0x80000046;
	[dreg:$0x1] =	wrdreg $0xFFFFFFFF  }
0xa7: {  	s28 =	simm.s32 $_size_execute0_lowered;
	s3 =	sadd.s32 s3, s5;
	[dreg:$0x0] =	wrdreg $0x0  }
0xa8: {  	s5 =	sshll.u32 s28, $0x1;
	[dreg:$0x2] =	wrdreg s3  }
0xa9: {  	[dreg:$0x3] =	wrdreg s5  }
0xaa: {  	[dreg:$0x4] =	wrdreg $0xC0  }
0xab: {  	_ =	task [dreg:s7], $0x5FFFF  }
0xac: {  	[dreg:$0x1] =	wrdreg $0xFFFFFFFF  }
0xad: {  	[dreg:$0x0] =	wrdreg $0x60  }
0xae: {  	[dreg:$0x2] =	wrdreg s24  }
0xaf: {  	[dreg:$0x3] =	wrdreg s2  }
0xb0: {  	[dreg:$0x4] =	wrdreg $0xC800  }
0xb1: {  	[dreg:$0x5] =	wrdreg $0x9  }
0xb2: {  	_ =	task.clear_ibuf [dreg:s7], $0x6FFFF;
	_ =	strace $0x90000046  }
0xb3: {  	s29 =	simm.s32 $0x9;
	_ =	strace $0x80000048  }
0xb4: {  	_ =	swait.ge [sflag:s29], $0x1  }
0xb5: {  	[sflag:s29] =	ssyncadd.s32 $0xFFFFFFFF  }
0xb6: {  	_ =	strace $0x90000048  }
0xb7: {  	_ =	sfence  }
0xb8: {  	s30 =	sld [smem:$0x0];
	_ =	sdelay $0x2  }
0xb9: {  	s31 =	sshll.u32 s1, $0xD;
	s1 =	sshrl.u32 s1, $0x2  }
0xba: {  	s3 =	sand.u32 $0x4000, s31;
	s1 =	sadd.s32 s1, s30  }
0xbb: {  	s0 =	sor.u32 s3, s0;
	s1 =	sshll.u32 s1, $0x11  }
0xbc: {  	s0 =	sor.u32 s1, s0  }
0xbd: {  	s0 =	sadd.s32 $0x8F2B, s0  }
0xbe: {  	[sflag:s0] =	ssyncadd.remote.s32 $0x1  }
0xbf: {  	_ =	sfence.sel $0xFFFF  }
0xc0: {  	[dreg:$0x0] =	wrdreg $0xFFFFFFFF;
	(pc) =	sbr.abs _section_cstart, $3  }
0xc1: {  	[dreg:$0x1] =	wrdreg $0xFFFFFFFF  }
0xc2: {  	_ =	task.clear_ibuf [dreg:s7], $0x2FFFF;
	_ =	strace $0x9FFFFFFF  }
0xc3: {  	(tm) =	ssettm $0x7FFFFFFF  }
tec
execute0_lowered:
.L_overlay_start_1:
0x0: {  	(tag) =	ssettag $0x1  }
0x1: {  	s5 =	rddreg [dreg:$0x0]  }
0x2: {  	s1 =	rddreg [dreg:$0x1]  }
0x3: {  	s2 =	rddreg [dreg:$0x2]  }
0x4: {  	s0 =	rddreg [dreg:$0x3];
	s4 =	simm.s32 $0x0;
	s3 =	stileid.u32  }
0x5: {  	s6 =	srdreg.scid;
	[smem:$0x7FF] =	sst s4;
	s7 =	sshll.u32 s3, $0x7  }
0x6: {  	s8 =	sshll.u32 s3, $0xE;
	s9 =	sand.u32 $0x1, s6;
	s11 =	smul.u32 $0x7B000, s3  }
0x7: {  	s29 =	sshll.u32 s3, $0x3;
	s31 =	sshll.u32 s3, $0x6;
	_ =	strace $0x80000047  }
0x8: {  	s25 =	sadd.s32 s7, s5;
	s10 =	sadd.s32 s8, s5;
	s26 =	ssub.s32 $0x2, s9  }
0x9: {  	s5 =	sadd.s32 $0x41600, s5;
	s13 =	sor.u32 $0x3D80, s29;
	s7 =	smul.u32 $0x3D090, s9  }
0xa: {  	s8 =	smul.u32 $0x3D8, s3;
	s28 =	sshrl.u32 s26, $0x1;
	s6 =	sadd.s32 $0xE00, s25  }
0xb: {  	v0 =	vlaneseq.u32;
	s30 =	sshrl.u32 s11, $0x2;
	s10 =	sadd.s32 $0x1600, s10;
	s12 =	ssub.s32 s26, s28  }
0xc: {  	v0 =	vand.u32 $0x7, v0;
	s11 =	simm.s32 $0x1;
	s14 =	sadd.s32 s30, s2;
	s9 =	smax.u32 s12, $0x1  }
0xd: {  	v1 =	vimm.s32 $0x0;
	v0 =	vor.u32 s13, v0;
	s12 =	sor.u32 $0x1C01, s31;
	s13 =	sshrl.u32 s14, $0x3;
	s14 =	simm.s32 $0x0  }
.LBB2_1:
0xe: {  	[tilespmem:s4], [sflag:$0x1] =	stream.linear.gather [hbm4b:s6+s4], $0x400, $0x38;
	[tilespmem:$0x1FC80] =	vst v63  }
0xf: {  	_ =	swait.ge [sflag:s11], $0x400  }
0x10: {  	[sflag:s11] =	ssyncset.done $0x0  }
0x11: {  	s15 =	simm.s32 $0x0;
	[sflag:s11] =	ssyncadd.s32 $0xFFFFFC00  }
.LBB2_2:
0x12: {  	s16 =	smul.u32 $0x3D80, s15;
	_ =	sdelay $0x1  }
0x13: {  	s16 =	smin.u32 s16, $0x39310  }
0x14: {  	s17 =	sadd.s32 s7, s16  }
0x15: {  	s16 =	sadd.s32 s8, s17  }
0x16: {  	s16 =	sshll.u32 s16, $0x4  }
0x17: {  	s18 =	sadd.s32 s1, s16  }
0x18: {  	[spmem:s13], [sflag:s12] =	dma.local [hbm:s18], $0x3D80  }
0x19: {  	_ =	swait.ge [sflag:s11], $0x3D80  }
0x1a: {  	[sflag:s11] =	ssyncset.done $0x0  }
0x1b: {  	[sflag:s11] =	ssyncadd.s32 $0xFFFFC280  }
0x1c: {  	s26 =	simm.s32 $0x0;
	[bflag:$0x0] =	sbarrier.arrive $0xFFFF  }
0x1d: {  	v3 =	vld [tilespmem:s26+$0x0];
	_ =	sdelay $0x3  }
0x1e: {  	v2 =	vmov s17  }
0x1f: {  	v3 =	vsub.s32 v3, v2  }
0x20: {  	vm0 =	vlt.u32 v3, $0x3D80  }
0x21: {  	v4 =	vsel vm0, $0x1, v1  }
0x22: {  	(v2sf) =	vpush v4, $0xF  }
0x23: {  	(v2sf) =	vpush v4, $0xC  }
0x24: {  	(v2sf) =	vpush v4, $0xD;
	_ =	sdelay $0x1  }
0x25: {  	(v2sf) =	vpush v4, $0xE  }
0x26: {  	(v2sf) =	vpush v4, $0x9  }
0x27: {  	(v2sf) =	vpush v4, $0x8  }
0x28: {  	(v2sf) =	vpush v4, $0xB  }
0x29: {  	(v2sf) =	vpush v4, $0xA  }
0x2a: {  	(v2sf) =	vpush v4, $0x1  }
0x2b: {  	(v2sf) =	vpush v4, $0x0  }
0x2c: {  	(v2sf) =	vpush v4, $0x3  }
0x2d: {  	(v2sf) =	vpush v4, $0x2  }
0x2e: {  	(v2sf) =	vpush v4, $0x5  }
0x2f: {  	(v2sf) =	vpush v4, $0x4  }
0x30: {  	(v2sf) =	vpush v4, $0x7;
	s28 =	spop (v2sf)  }
0x31: {  	(v2sf) =	vpush v4, $0x6;
	s29 =	spop (v2sf)  }
0x32: {  	s19 =	spop (v2sf)  }
0x33: {  	s18 =	sadd.s32 s19, s29  }
0x34: {  	s30 =	spop (v2sf);
	s17 =	sadd.s32 s28, s18  }
0x35: {  	s31 =	spop (v2sf);
	s17 =	sadd.s32 s30, s17  }
0x36: {  	s20 =	spop (v2sf);
	s17 =	sadd.s32 s31, s17  }
0x37: {  	s21 =	spop (v2sf);
	s17 =	sadd.s32 s20, s17  }
0x38: {  	s22 =	spop (v2sf);
	s17 =	sadd.s32 s21, s17  }
0x39: {  	s23 =	spop (v2sf);
	s17 =	sadd.s32 s22, s17  }
0x3a: {  	s24 =	spop (v2sf);
	s17 =	sadd.s32 s23, s17  }
0x3b: {  	s25 =	spop (v2sf);
	s17 =	sadd.s32 s24, s17  }
0x3c: {  	s26 =	spop (v2sf);
	s17 =	sadd.s32 s25, s17  }
0x3d: {  	s28 =	spop (v2sf);
	s17 =	sadd.s32 s26, s17  }
0x3e: {  	s29 =	spop (v2sf);
	s17 =	sadd.s32 s28, s17  }
0x3f: {  	s30 =	spop (v2sf);
	s17 =	sadd.s32 s29, s17  }
0x40: {  	s31 =	spop (v2sf);
	s17 =	sadd.s32 s30, s17  }
0x41: {  	s17 =	sadd.s32 s31, s17  }
0x42: {  	p1 =	slt.s32 s17, $0x1  }
0x43: {  	vm0 =	vlt.u32 @!p1 v3, $0x3D80  }
0x44: {  	[tilespmem:$0xC00] =	vst v4;
	s17 =	simm.s32 @!p1 $0x0;
	s18 =	simm.s32 @!p1 $0x400;
	s19 =	simm.s32 @!p1 $0x2;
	v3 =	vsel @!p1 vm0, v3, v0  }
0x45: {  	[tilespmem:s18], [sflag:$0x2] =	stream.linear.gather @!p1 [hbm4b:s10+s17], $0x800, $0x38;
	[tilespmem:$0x1FC80] =	vst v63  }
0x46: {  	_ =	swait.ge @!p1 [sflag:s19], $0x800  }
0x47: {  	[sflag:s19] =	ssyncset.done @!p1 $0x0  }
0x48: {  	vm0 =	vmmov @!p1 $0xffff;
	[sflag:s19] =	ssyncadd.s32 @!p1 $0xFFFFF800  }
0x49: {  	[spmem:s2] =	stream.indirect_vreg.scatter.add.f32 @!p1 [tilespmem:s18], [sflag:$0x1], $0x80, v3, vm0, $0xb8;
	[tilespmem:$0x1FC80] =	vst v63  }
0x4a: {  	s17 =	simm.s32 $0x40;
	s19 =	simm.s32 @!p1 $0x1;
	s18 =	smov.u32 s10  }
.LBB2_3:
0x4b: {  	_ =	swait.ge @!p1 [sflag:s19], $0x800  }
0x4c: {  	s18 =	sadd.s32 $0x100, s18;
	s20 =	smov.u32 s17;
	s17 =	sadd.s32 $0x40, s17  }
0x4d: {  	p0 =	sne.s32 s17, $0x1000;
	[sflag:s19] =	ssyncset.done @!p1 $0x0  }
0x4e: {  	s20 =	sshra.s32 s20, $0x2;
	[sflag:s19] =	ssyncadd.s32 @!p1 $0xFFFFF800  }
0x4f: {  	v3 =	vld [tilespmem:s20+$0x0];
	_ =	sdelay $0x4  }
0x50: {  	v3 =	vsub.s32 v3, v2  }
0x51: {  	vm0 =	vlt.u32 v3, $0x3D80  }
0x52: {  	v4 =	vsel vm0, $0x1, v1  }
0x53: {  	(v2sf) =	vpush v4, $0xF  }
0x54: {  	(v2sf) =	vpush v4, $0xC  }
0x55: {  	(v2sf) =	vpush v4, $0xD  }
0x56: {  	(v2sf) =	vpush v4, $0xE  }
0x57: {  	(v2sf) =	vpush v4, $0x9  }
0x58: {  	(v2sf) =	vpush v4, $0x8  }
0x59: {  	(v2sf) =	vpush v4, $0xB  }
0x5a: {  	(v2sf) =	vpush v4, $0xA  }
0x5b: {  	(v2sf) =	vpush v4, $0x1  }
0x5c: {  	(v2sf) =	vpush v4, $0x0  }
0x5d: {  	(v2sf) =	vpush v4, $0x3  }
0x5e: {  	(v2sf) =	vpush v4, $0x2  }
0x5f: {  	(v2sf) =	vpush v4, $0x5  }
0x60: {  	(v2sf) =	vpush v4, $0x4  }
0x61: {  	(v2sf) =	vpush v4, $0x7  }
0x62: {  	(v2sf) =	vpush v4, $0x6;
	s19 =	spop (v2sf)  }
0x63: {  	s20 =	spop (v2sf)  }
0x64: {  	s21 =	spop (v2sf)  }
0x65: {  	s20 =	sadd.s32 s21, s20;
	s21 =	spop (v2sf)  }
0x66: {  	s19 =	sadd.s32 s19, s20;
	s20 =	spop (v2sf)  }
0x67: {  	s19 =	sadd.s32 s21, s19;
	s21 =	spop (v2sf)  }
0x68: {  	s19 =	sadd.s32 s20, s19;
	s20 =	spop (v2sf)  }
0x69: {  	s19 =	sadd.s32 s21, s19;
	s21 =	spop (v2sf)  }
0x6a: {  	s19 =	sadd.s32 s20, s19;
	s20 =	spop (v2sf)  }
0x6b: {  	s19 =	sadd.s32 s21, s19;
	s21 =	spop (v2sf)  }
0x6c: {  	s19 =	sadd.s32 s20, s19;
	s20 =	spop (v2sf)  }
0x6d: {  	s19 =	sadd.s32 s21, s19;
	s21 =	spop (v2sf)  }
0x6e: {  	s19 =	sadd.s32 s20, s19;
	s20 =	spop (v2sf)  }
0x6f: {  	s19 =	sadd.s32 s21, s19;
	s21 =	spop (v2sf)  }
0x70: {  	s19 =	sadd.s32 s20, s19;
	s20 =	spop (v2sf)  }
0x71: {  	s19 =	sadd.s32 s21, s19;
	s21 =	spop (v2sf)  }
0x72: {  	s19 =	sadd.s32 s20, s19  }
0x73: {  	s19 =	sadd.s32 s21, s19  }
0x74: {  	p1 =	slt.s32 s19, $0x1  }
0x75: {  	[tilespmem:$0xC00] =	vst v4;
	vm0 =	vlt.u32 @!p1 v3, $0x3D80;
	s19 =	simm.s32 @!p1 $0x0;
	s20 =	simm.s32 @!p1 $0x400;
	s21 =	simm.s32 @!p1 $0x2  }
0x76: {  	v3 =	vsel @!p1 vm0, v3, v0;
	[tilespmem:s20], [sflag:$0x2] =	stream.linear.gather @!p1 [hbm4b:s18+s19], $0x800, $0x38;
	[tilespmem:$0x1FC80] =	vst v63  }
.Ltmp0:
0x77: {  	_ =	swait.ge @!p1 [sflag:s21], $0x800;
	(pc) =	sbr.rel @p0 .LBB2_3-.Ltmp0, $4  }
0x78: {  	[sflag:s21] =	ssyncset.done @!p1 $0x0  }
0x79: {  	vm0 =	vmmov @!p1 $0xffff;
	[sflag:s21] =	ssyncadd.s32 @!p1 $0xFFFFF800  }
0x7a: {  	s19 =	simm.s32 @!p1 $0x1  }
0x7b: {  	[spmem:s2] =	stream.indirect_vreg.scatter.add.f32 @!p1 [tilespmem:s20], [sflag:$0x1], $0x80, v3, vm0, $0xb8;
	[tilespmem:$0x1FC80] =	vst v63  }
0x7c: {  	_ =	swait.ge @!p1 [sflag:s19], $0x800  }
0x7d: {  	s15 =	sadd.s32 $0x1, s15;
	[sflag:s19] =	ssyncset.done @!p1 $0x0  }
0x7e: {  	p0 =	sne.s32 s15, $0x10;
	[sflag:s19] =	ssyncadd.s32 @!p1 $0xFFFFF800  }
.Ltmp1:
0x7f: {  	s16 =	sadd.s32 s5, s16;
	[bflag:$0x0] =	sbarrier.arrive $0xFFFF;
	(pc) =	sbr.rel @p0 .LBB2_2-.Ltmp1, $4  }
0x80: {  	[hbm:s16], [sflag:s12] =	dma.local [spmem:s13], $0x3D80  }
0x81: {  	_ =	swait.ge [sflag:s11], $0x3D80  }
0x82: {  	[sflag:s11] =	ssyncset.done $0x0  }
0x83: {  	[sflag:s11] =	ssyncadd.s32 $0xFFFFC280  }
0x84: {  	s14 =	sadd.s32 $0x1, s14  }
0x85: {  	p0 =	sne.s32 s14, s9  }
.Ltmp2:
0x86: {  	_ = 	snop;
	(pc) =	sbr.rel @p0 .LBB2_1-.Ltmp2, $1  }
0x87: {  	_ =	sdelay $0x3  }
0x88: {  	_ =	sfence.sel $0x180000  }
0x89: {  	[bflag:$0x0] =	sbarrier.arrive $0xFFFF  }
0x8a: {  	p0 =	sne.s32 s3, $0x0;
	_ =	strace $0x90000047  }
0x8b: {  	s0 =	sadd.s32 @!p0 $0x100000, s0;
	[bflag:$0x2] =	sbarrier.arrive $0xFFFF  }
0x8c: {  	[sflag:s0] =	ssyncadd.tile.s32 @!p0 $0x1;
	_ =	shalt  }
.Lfunc_end2:
_tile_overlayer_lowered:
.L_overlay_start_2:
0x8d: {  	(tag) =	ssettag $0x2  }
0x8e: {  	s0 =	rddreg [dreg:$0x0];
	s2 =	stileid.u32  }
0x8f: {  	s1 =	rddreg [dreg:$0x1];
	p0 =	sne.s32 s2, $0x0  }
0x90: {  	s3 =	rddreg [dreg:$0x2];
	[bflag:$0x3] =	sbarrier.arrive $0xFFFF;
	s2 =	simm.s32 @!p0 $0x1C01  }
0x91: {  	[timem:s3], [sflag:s2] =	dma.local @!p0 [hbm:s0], s1  }
0x92: {  	s0 =	simm.s32 @!p0 $0x1  }
0x93: {  	_ =	swait.ge @!p0 [sflag:s0], s1  }
0x94: {  	s1 =	ssub.s32 @!p0 $0x0, s1;
	[sflag:s0] =	ssyncset.done @!p0 $0x0  }
0x95: {  	[sflag:s0] =	ssyncadd.s32 @!p0 s1  }
0x96: {  	[bflag:$0x3] =	sbarrier.arrive $0xFFFF  }
0x97: {  	_ =	shalt  }

// kernel: sparse-core-data-format-call.cloned.1.call-start
scs
called_computation_lowered:
.L_overlay_start_0:
0x0: {  	s2 =	sld [smem:$0x3FD9]  }
0x1: {  	s3 =	sld [smem:$0x3FFE];
	_ =	sdelay $0x1  }
0x2: {  	s1 =	srdreg.scid  }
0x3: {  	s0 =	sand.u32 $0x1, s1  }
0x4: {  	s18 =	sshll.u32 s0, $0xA;
	s2 =	sadd.s32 s3, s2  }
0x5: {  	s2 =	sadd.s32 s2, s18  }
0x6: {  	[smem:$0x3FC5] =	sst s2  }
0x7: {  	_ = 	snop  }
0x8: {  	s2 =	sld [smem:$0x3FD0];
	(tm) =	ssettm $0x1  }
0x9: {  	s19 =	sld [smem:$0x3FFB];
	_ =	sdelay $0x3  }
0xa: {  	_ =	strace s19  }
0xb: {  	s3 =	sld [smem:$0x3FFC];
	_ =	sdelay $0x3  }
0xc: {  	_ =	strace s3  }
0xd: {  	s3 =	sld [smem:$0x3FFD];
	_ =	sdelay $0x3  }
0xe: {  	_ =	strace s3  }
0xf: {  	_ =	strace $0x8FFFFFFF  }
0x10: {  	s20 =	sld [smem:$0x3FDB];
	_ =	sdelay $0x1  }
0x11: {  	s4 =	simm.s32 $_scs_section_size  }
0x12: {  	s5 =	simm.s32 $_size__tile_overlayer_lowered;
	s6 =	simm.s32 $_tile_overlayer_lowered  }
0x13: {  	s23 =	simm.s32 $0x1BFF;
	s22 =	sshll.u32 s6, $0x1;
	s3 =	sadd.s32 s4, s20  }
0x14: {  	s7 =	simm.s32 $0x0;
	s21 =	sshll.u32 s5, $0x1;
	s5 =	sadd.s32 s22, s3  }
0x15: {  	[timem:s7], [sflag:s23] =	dma.local [hbm:s5], s21  }
0x16: {  	_ =	swait.ge [sflag:s23], s21  }
0x17: {  	s4 =	ssub.s32 $0x0, s21;
	[sflag:s23] =	ssyncset.done $0x0  }
0x18: {  	[sflag:s23] =	ssyncadd.s32 s4;
	_ =	sdelay $0x1  }
0x19: {  	s24 =	simm.s32 $0x1B8B  }
0x1a: {  	_ =	swait.ge [sflag:s24], $0x1  }
0x1b: {  	[sflag:s24] =	ssyncset.done $0x0  }
0x1c: {  	s26 =	simm.s32 $0x1B8E;
	s25 =	sld [smem:$0x3FFE];
	[sflag:s24] =	ssyncadd.s32 $0xFFFFFFFF  }
0x1d: {  	s27 =	simm.s32 $execute0_lowered;
	[smem:$0x3FD2] =	sst s26  }
0x1e: {  	s5 =	sshll.u32 s27, $0x1;
	_ =	strace $0x80000049;
	[dreg:$0x1] =	wrdreg $0xFFFFFFFF  }
0x1f: {  	s28 =	simm.s32 $_size_execute0_lowered;
	s3 =	sadd.s32 s3, s5;
	[dreg:$0x0] =	wrdreg $0x0  }
0x20: {  	s5 =	sshll.u32 s28, $0x1;
	[dreg:$0x2] =	wrdreg s3  }
0x21: {  	[dreg:$0x3] =	wrdreg s5  }
0x22: {  	[dreg:$0x4] =	wrdreg $0xC0  }
0x23: {  	_ =	task [dreg:s7], $0x5FFFF  }
0x24: {  	[dreg:$0x1] =	wrdreg $0xFFFFFFFF  }
0x25: {  	[dreg:$0x0] =	wrdreg $0x60  }
0x26: {  	[dreg:$0x2] =	wrdreg s25  }
0x27: {  	[dreg:$0x3] =	wrdreg s2  }
0x28: {  	[dreg:$0x4] =	wrdreg $0x9  }
0x29: {  	_ =	task.clear_ibuf [dreg:s7], $0x5FFFF;
	_ =	strace $0x90000049  }
0x2a: {  	s29 =	simm.s32 $0x9;
	_ =	strace $0x8000004B  }
0x2b: {  	_ =	swait.ge [sflag:s29], $0x1  }
0x2c: {  	[sflag:s29] =	ssyncadd.s32 $0xFFFFFFFF  }
0x2d: {  	_ =	strace $0x9000004B  }
0x2e: {  	_ =	sfence  }
0x2f: {  	s30 =	sld [smem:$0x0];
	_ =	sdelay $0x2  }
0x30: {  	s31 =	sshll.u32 s1, $0xD;
	s1 =	sshrl.u32 s1, $0x2  }
0x31: {  	s3 =	sand.u32 $0x4000, s31;
	s1 =	sadd.s32 s1, s30  }
0x32: {  	s0 =	sor.u32 s3, s0;
	s1 =	sshll.u32 s1, $0x11  }
0x33: {  	s0 =	sor.u32 s1, s0  }
0x34: {  	s0 =	sadd.s32 $0x8F2B, s0  }
0x35: {  	[sflag:s0] =	ssyncadd.remote.s32 $0x1  }
0x36: {  	_ =	sfence.sel $0xFFFF  }
0x37: {  	[dreg:$0x0] =	wrdreg $0xFFFFFFFF;
	(pc) =	sbr.abs _section_cstart, $3  }
0x38: {  	[dreg:$0x1] =	wrdreg $0xFFFFFFFF  }
0x39: {  	_ =	task.clear_ibuf [dreg:s7], $0x2FFFF;
	_ =	strace $0x9FFFFFFF  }
0x3a: {  	(tm) =	ssettm $0x7FFFFFFF  }
0x3b: {  	_ =	shalt  }
tec
execute0_lowered:
.L_overlay_start_1:
0x0: {  	(tag) =	ssettag $0x1  }
0x1: {  	s4 =	rddreg [dreg:$0x0]  }
0x2: {  	s0 =	srdreg.scid;
	s2 =	rddreg [dreg:$0x1]  }
0x3: {  	s1 =	stileid.u32;
	s5 =	simm.s32 $0x1;
	s0 =	sshll.u32 s0, $0x4  }
0x4: {  	s7 =	simm.s32 $0x2;
	s11 =	simm.s32 $0x0;
	s3 =	sand.u32 $0x10, s0  }
.Ltmp0:
0x5: {  	p0 =	por $0x0, $0x0;
	s3 =	sor.u32 s1, s3;
	(pc) =	sbr.rel .LBB1_1-.Ltmp0, $4  }
0x6: {  	s8 =	simm.s32 $0x7A1400;
	s10 =	simm.s32 $0x0;
	s3 =	sshll.u32 s3, $0x7  }
0x7: {  	s0 =	rddreg [dreg:$0x2];
	_ =	strace $0x8000004A;
	s6 =	ssub.s32 $0xF4200, s3  }
0x8: {  	s4 =	sadd.s32 $0x7E2800, s4;
	[sflag:s5] =	ssyncpa.u1 $0x0;
	s6 =	sshrl.u32 s6, $0xC  }
0x9: {  	[sflag:s7] =	ssyncpa.u1 $0x0;
	s9 =	smov.u32 s3;
	s7 =	sadd.s32 $0x2, s6  }
.LBB1_5:
0xa: {  	s13 =	sadd.s32 $0x1000, s9  }
0xb: {  	p2 =	sgt.s32 s13, $0xF423F  }
0xc: {  	s13 =	smov.u32 @p2 s3;
	p2 =	sne.s32 s10, s7  }
.Ltmp1:
0xd: {  	p1 =	slt.u32 s10, $0x2;
	(pc) =	sbr.rel @!p2 .LBB1_6-.Ltmp1, $4  }
0xe: {  	s12 =	simm.s32 @!p1 $0x2  }
0xf: {  	s14 =	sadd.s32 $0x1, s10;
	_ =	swait.ge @!p1 [sflag:s12], $0x2000  }
0x10: {  	s11 =	smov.u32 s9;
	p0 =	por !p0, !p0;
	[sflag:s12] =	ssyncset.done @!p1 $0x0  }
0x11: {  	s10 =	smov.u32 s14;
	s9 =	smov.u32 s13;
	[sflag:s12] =	ssyncadd.s32 @!p1 $0xFFFFE000  }
.LBB1_1:
0x12: {  	p1 =	sgt.u32 s10, s6  }
0x13: {  	s13 =	smov.u32 s9;
	p2 =	sgt.s32 @!p1 s9, $0xF41C0  }
0x14: {  	s12 =	sand.u32 @!p1 $0x1FFFFFF, s9;
	s14 =	sshra.s32 @!p1 s9, $0x1F;
	p2 =	por !p2, p1  }
0x15: {  	s15 =	smulhi.u32 @!p1 $0x218DEF5, s12;
	s14 =	sand.u32 @!p1 s14, s9;
	s13 =	simm.s32 @p2 $0xF41C0  }
0x16: {  	s13 =	ssub.s32 @!p1 s13, s14  }
0x17: {  	s14 =	sshrl.u32 @!p1 s15, $0xD;
	s13 =	sadd.s32 @!p1 $0xFFF0BE40, s13  }
0x18: {  	s15 =	sxor.u32 @!p1 $0xFFFFFFFF, s10;
	s14 =	smul.u32 @!p1 $0xF4240, s14;
	s16 =	sshll.u32 @!p1 s13, $0x8  }
0x19: {  	s15 =	sshll.u32 @!p1 s15, $0xD;
	p2 =	sgt.s32 @!p1 s13, $0x7F;
	s13 =	ssub.s32 @!p1 $0x8000, s16  }
0x1a: {  	s12 =	ssub.s32 @!p1 s12, s14;
	p2 =	por !p2, p1;
	s14 =	sand.u32 @!p1 $0x2000, s15  }
0x1b: {  	s15 =	simm.s32 @!p1 $0x40;
	s13 =	sshrl.u32 @!p1 s13, $0x2;
	s12 =	sshll.u32 @!p1 s12, $0x4  }
0x1c: {  	s16 =	simm.s32 @!p1 $0x80;
	s13 =	simm.s32 @!p2 $0x0;
	s12 =	sadd.s32 @!p1 s4, s12  }
0x1d: {  	[tilespmem:s14], [sflag:$0x1] =	stream.strided.gather @!p1 [hbm4b:s12+s15], s13, s16, s15, $0x38;
	[tilespmem:$0x8080] =	vst v63  }
0x1e: {  	p1 =	seq.s32 s10, $0x0  }
0x1f: {  	p2 =	sge.u32 @!p1 s10, s7  }
0x20: {  	p1 =	por p1, p2  }
.Ltmp2:
0x21: {  	_ = 	snop;
	(pc) =	sbr.rel @p1 .LBB1_5-.Ltmp2, $1  }
0x22: {  	_ =	sdelay $0x3  }
0x23: {  	p1 =	sgt.s32 s11, $0xF41C0;
	s12 =	smov.u32 s11;
	s13 =	sshra.s32 s11, $0x1F  }
0x24: {  	s12 =	simm.s32 @!p1 $0xF41C0;
	s13 =	sand.u32 s13, s11  }
0x25: {  	s12 =	ssub.s32 s12, s13  }
0x26: {  	s12 =	sadd.s32 $0xFFF0BE40, s12  }
0x27: {  	s28 =	sshll.u32 s12, $0x8  }
0x28: {  	s13 =	ssub.s32 $0x8000, s28  }
0x29: {  	p1 =	sgt.s32 s12, $0x7F;
	s12 =	sshrl.u32 s13, $0x2  }
0x2a: {  	s13 =	simm.s32 $0x1;
	s12 =	simm.s32 @p1 $0x0  }
0x2b: {  	s13 =	simm.s32 @!p0 $0x0;
	_ =	swait.ge [sflag:s5], s12  }
0x2c: {  	s14 =	sshll.u32 s13, $0xD;
	s12 =	ssub.s32 $0x0, s12;
	[sflag:s5] =	ssyncset.done $0x0  }
0x2d: {  	s16 =	sor.u32 $0x20, s14;
	[sflag:s5] =	ssyncadd.s32 s12  }
0x2e: {  	s29 =	smul.u32 $0x8100, s13;
	v3 =	vld [tilespmem:s16+$0x10]  }
0x2f: {  	s30 =	sand.u32 $0x1, s10;
	v2 =	vld [tilespmem:s16+$0xFFFFFFF0]  }
0x30: {  	s13 =	smul.u32 $0x8100, s30;
	s12 =	sshrl.u32 s29, $0x2;
	v0 =	vld [tilespmem:s16+$0x0]  }
0x31: {  	s14 =	sor.u32 $0x4000, s12;
	v1 =	vld [tilespmem:s16+$0xFFFFFFE0]  }
0x32: {  	s31 =	sshrl.u32 s13, $0x2;
	s13 =	sadd.s32 $0x0, s14  }
0x33: {  	s15 =	simm.s32 $0x4;
	s12 =	sor.u32 $0x4000, s31;
	s16 =	sadd.s32 $0x40, s16;
	[tilespmem:s13+$0x1830 ss:$0x81] =	vst.msk $0xffff, v3  }
.LBB1_3:
0x34: {  	v3 =	vld [tilespmem:s16+$0x10];
	p1 =	sne.s32 s15, $0x1FC;
	[tilespmem:s13+$0x810 ss:$0x81] =	vst.msk $0xffff, v2;
	s17 =	smov.u32 s15;
	s15 =	sadd.s32 $0x4, s15  }
.Ltmp3:
0x35: {  	v2 =	vld [tilespmem:s16+$0xFFFFFFF0];
	[tilespmem:s13+$0x1020 ss:$0x81] =	vst.msk $0xffff, v0;
	(pc) =	sbr.rel @p1 .LBB1_3-.Ltmp3, $4  }
0x36: {  	v0 =	vld [tilespmem:s16+$0x0];
	[tilespmem:s13+$0x0 ss:$0x81] =	vst.msk $0xffff, v1  }
0x37: {  	s13 =	sshra.s32 s17, $0x2;
	v1 =	vld [tilespmem:s16+$0xFFFFFFE0]  }
0x38: {  	s13 =	sadd.s32 s13, s14  }
0x39: {  	s16 =	sadd.s32 $0x40, s16;
	[tilespmem:s13+$0x1830 ss:$0x81] =	vst.msk $0xffff, v3  }
0x3a: {  	s14 =	sshll.u32 s11, $0x3  }
0x3b: {  	s30 =	sand.u32 $0x7F, s11;
	s14 =	sand.u32 $0xFFFFFC00, s14  }
0x3c: {  	s11 =	sor.u32 s30, s14  }
0x3d: {  	s15 =	smulhi.u32 $0x218D6287, s11;
	_ =	sdelay $0x1  }
0x3e: {  	s14 =	smulhi.u32 $0x218D6287, s14;
	s15 =	sshrl.u32 s15, $0x11  }
0x3f: {  	s15 =	smul.u32 $0xF4280, s15  }
0x40: {  	s14 =	sshrl.u32 s14, $0x11  }
.Ltmp4:
0x41: {  	s14 =	sand.u32 $0x3F, s14;
	s11 =	ssub.s32 s11, s15;
	(pc) =	sbr.rel .LBB1_5-.Ltmp4, $4  }
0x42: {  	[tilespmem:s13+$0x810 ss:$0x81] =	vst.msk $0xffff, v2;
	s14 =	smul.u32 $0x1E850, s14;
	s15 =	sshrl.u32 s11, $0x3;
	s11 =	sand.u32 $0x7, s11  }
0x43: {  	[tilespmem:s13+$0x1020 ss:$0x81] =	vst.msk $0xffff, v0;
	s15 =	sadd.s32 s2, s15;
	s11 =	sshll.u32 s11, $0x12  }
0x44: {  	[tilespmem:s13+$0x0 ss:$0x81] =	vst.msk $0xffff, v1;
	s31 =	sadd.s32 s14, s15;
	s11 =	sor.u32 $0x400, s11  }
0x45: {  	[hbm4b:s31+s11] =	stream.strided.scatter [tilespmem:s12], [sflag:$0x2], $0x2000, s8, s11, $0x20;
	[tilespmem:$0x8080] =	vst v63  }
.LBB1_6:
0x46: {  	_ =	sfence.sel $0x180000  }
0x47: {  	s2 =	simm.s32 $0x1;
	[bflag:$0x0] =	sbarrier.arrive $0xFFFF  }
0x48: {  	s31 =	simm.s32 $0x2;
	[sflag:s2] =	ssyncpa.u1 $0x1  }
0x49: {  	[sflag:s31] =	ssyncpa.u1 $0x1  }
0x4a: {  	p0 =	sne.s32 s1, $0x0;
	_ =	strace $0x9000004A  }
0x4b: {  	s0 =	sadd.s32 @!p0 $0x100000, s0;
	[bflag:$0x2] =	sbarrier.arrive $0xFFFF  }
0x4c: {  	[sflag:s0] =	ssyncadd.tile.s32 @!p0 $0x1;
	_ =	shalt  }
.Lfunc_end1:
_tile_overlayer_lowered:
.L_overlay_start_2:
0x4d: {  	(tag) =	ssettag $0x2  }
0x4e: {  	s0 =	rddreg [dreg:$0x0];
	s2 =	stileid.u32  }
0x4f: {  	s1 =	rddreg [dreg:$0x1];
	p0 =	sne.s32 s2, $0x0  }
0x50: {  	s3 =	rddreg [dreg:$0x2];
	[bflag:$0x3] =	sbarrier.arrive $0xFFFF;
	s2 =	simm.s32 @!p0 $0x1C01  }
0x51: {  	[timem:s3], [sflag:s2] =	dma.local @!p0 [hbm:s0], s1  }
0x52: {  	s0 =	simm.s32 @!p0 $0x1  }
0x53: {  	_ =	swait.ge @!p0 [sflag:s0], s1  }
0x54: {  	s1 =	ssub.s32 @!p0 $0x0, s1;
	[sflag:s0] =	ssyncset.done @!p0 $0x0  }
0x55: {  	[sflag:s0] =	ssyncadd.s32 @!p0 s1  }
0x56: {  	[bflag:$0x3] =	sbarrier.arrive $0xFFFF  }
0x57: {  	_ =	shalt  }

</sc_bundles>
